<compile_context>
chip_gen: v7x
topology: tpu7x:2x2x1
jax: 0.10.2.dev20260603
libtpu: 0.0.44.dev20260713+nightly
codegen_flags: <defaults>
</compile_context>

<pallas_src>
import functools

import jax
import jax.numpy as jnp
from jax import lax
from jax.experimental import pallas as pl
from jax.experimental.pallas import tpu as pltpu
from jax.experimental.pallas import tpu_sc as plsc

VOCAB = 100000
EMB = 768
SEQ = 50
HID = 768
BATCH = 1024
LN_EPS = 1e-12

N_TOK = BATCH * SEQ

NUM_CORES = 2
NUM_SUBCORES = 16
NW = NUM_CORES * NUM_SUBCORES
PER_W = N_TOK // NW
CHUNK = 80
N_PAIRS = PER_W // (2 * CHUNK)


def _sc_gather_body(idx_hbm, table_hbm, out_hbm, idx_v,
                    buf_a, buf_b, sg_a, sg_b, ss_a, ss_b):
    wid = lax.axis_index("s") * NUM_CORES + lax.axis_index("c")
    base = wid * PER_W
    pltpu.sync_copy(idx_hbm.at[pl.ds(base, PER_W)], idx_v)

    @pl.loop(0, N_PAIRS)
    def pair(j):
        loc = pl.multiple_of(j * (2 * CHUNK), 8)
        ga = pltpu.async_copy(
            table_hbm.at[idx_v.at[pl.ds(loc, CHUNK)]], buf_a, sg_a)
        gb = pltpu.async_copy(
            table_hbm.at[idx_v.at[pl.ds(loc + CHUNK, CHUNK)]], buf_b, sg_b)
        ga.wait()
        sa = pltpu.async_copy(buf_a, out_hbm.at[pl.ds(base + loc, CHUNK)], ss_a)
        gb.wait()
        sb = pltpu.async_copy(
            buf_b, out_hbm.at[pl.ds(base + loc + CHUNK, CHUNK)], ss_b)
        sa.wait()
        sb.wait()


_sc_gather = functools.partial(
    pl.kernel,
    out_type=jax.ShapeDtypeStruct((N_TOK, EMB), jnp.float32),
    mesh=plsc.VectorSubcoreMesh(
        core_axis_name="c", subcore_axis_name="s",
        num_cores=NUM_CORES, num_subcores=NUM_SUBCORES),
    scratch_types=[
        pltpu.VMEM((PER_W,), jnp.int32),
        pltpu.VMEM((CHUNK, EMB), jnp.float32),
        pltpu.VMEM((CHUNK, EMB), jnp.float32),
        pltpu.SemaphoreType.DMA,
        pltpu.SemaphoreType.DMA,
        pltpu.SemaphoreType.DMA,
        pltpu.SemaphoreType.DMA,
    ],
)(_sc_gather_body)


def _tc_body(g_ref, pos_ref, ls_ref, lb_ref, w_ref, b_ref, o_ref):
    h = g_ref[...] + pos_ref[0]
    m = jnp.mean(h, axis=1, keepdims=True)
    hc = h - m
    v = jnp.mean(hc * hc, axis=1, keepdims=True)
    hn = hc * lax.rsqrt(v + LN_EPS)
    hn = hn * ls_ref[...] + lb_ref[...]
    o_ref[0] = (
        jnp.dot(hn.astype(jnp.bfloat16), w_ref[...].astype(jnp.bfloat16),
                preferred_element_type=jnp.float32)
        + b_ref[...]
    )


def _tc_call(gathered, pos_emb, ln_scale, ln_bias, dense_kernel, dense_bias):
    return pl.pallas_call(
        _tc_body,
        grid=(SEQ,),
        in_specs=[
            pl.BlockSpec((BATCH, EMB), lambda i: (i, 0)),
            pl.BlockSpec((1, 1, EMB), lambda i: (i, 0, 0)),
            pl.BlockSpec((1, EMB), lambda i: (0, 0)),
            pl.BlockSpec((1, EMB), lambda i: (0, 0)),
            pl.BlockSpec((EMB, HID), lambda i: (0, 0)),
            pl.BlockSpec((1, HID), lambda i: (0, 0)),
        ],
        out_specs=pl.BlockSpec((1, BATCH, HID), lambda i: (i, 0, 0)),
        out_shape=jax.ShapeDtypeStruct((SEQ, BATCH, HID), jnp.float32),
    )(gathered, pos_emb, ln_scale, ln_bias, dense_kernel, dense_bias)


def kernel(x, word_emb, pos_emb, ln_scale, ln_bias, dense_kernel, dense_bias):
    idx = x.T.reshape(-1).astype(jnp.int32)
    gathered = _sc_gather(idx, word_emb)
    out_t = _tc_call(
        gathered,
        pos_emb.reshape(SEQ, 1, EMB),
        ln_scale.reshape(1, EMB),
        ln_bias.reshape(1, EMB),
        dense_kernel,
        dense_bias.reshape(1, HID),
    )
    return out_t.transpose(1, 0, 2)

# --- scband reference (transcript-rebuilt; emitter-appended) ---
"""Pipeline reference for scband-prompt-generator-78417512890525 (READ-ONLY COPY).

The authoritative reference and input builder live on the scoring server;
editing this copy changes nothing except your own understanding.
"""

import jax, jax.numpy as jnp
import numpy as np

VOCAB = 100000
EMB = 768
SEQ = 50
HID = 768
BATCH = 1024
LN_EPS = 1e-12


def setup_inputs(seed: int = 0) -> dict:
    key = jax.random.key(seed)
    k_x, k_we, k_pe, k_dk = jax.random.split(key, 4)
    x = jax.random.randint(k_x, (BATCH, SEQ), 0, VOCAB, dtype=jnp.int64 if jax.config.jax_enable_x64 else jnp.int32)
    word_emb = jax.random.normal(k_we, (VOCAB, EMB), dtype=jnp.float32) * 0.02
    pos_emb = jax.random.normal(k_pe, (SEQ, EMB), dtype=jnp.float32) * 0.02
    ln_scale = jnp.ones((EMB,), dtype=jnp.float32)
    ln_bias = jnp.zeros((EMB,), dtype=jnp.float32)
    dense_kernel = jax.random.normal(k_dk, (EMB, HID), dtype=jnp.float32) * 0.02
    dense_bias = jnp.zeros((HID,), dtype=jnp.float32)
    return {"x": x, "word_emb": word_emb, "pos_emb": pos_emb,
            "ln_scale": ln_scale, "ln_bias": ln_bias,
            "dense_kernel": dense_kernel, "dense_bias": dense_bias}


def reference(x, word_emb, pos_emb, ln_scale, ln_bias, dense_kernel, dense_bias):
    # word embedding lookup (SparseCore gather)
    we = jnp.take(word_emb, x, axis=0)  # [B, S, EMB]
    # position embedding: position_ids = arange(seq)[None, :]
    position_ids = jnp.arange(SEQ)[None, :]
    pe = jnp.take(pos_emb, position_ids, axis=0)  # [1, S, EMB]
    h = we + pe
    # LayerNorm (TF epsilon)
    mean = jnp.mean(h, axis=-1, keepdims=True)
    var = jnp.mean(jnp.square(h - mean), axis=-1, keepdims=True)
    h = (h - mean) / jnp.sqrt(var + LN_EPS)
    h = h * ln_scale + ln_bias
    # Dense hidden mapping (hidden_size > 0)
    out = jnp.einsum('bse,eh->bsh', h, dense_kernel) + dense_bias
    # Dropout is identity with deterministic=True
    return out

if __name__ == "__main__":
    import jax
    _d = setup_inputs()
    print(jax.jit(kernel)(*tuple(_d.values())))

</pallas_src>

<mosaic_0001>
#map = affine_map<(d0, d1) -> (0)>
#map1 = affine_map<(d0, d1) -> (0, 0)>
module attributes {stable_mosaic.version = 14 : i64} {
  func.func @_sc_gather_body(%arg0: i32, %arg1: i32, %arg2: memref<51200xi32, #tpu.memory_space<hbm>>, %arg3: memref<100000x768xf32, #tpu.memory_space<hbm>>, %arg4: memref<51200x768xf32, #tpu.memory_space<hbm>>, %arg5: memref<1600xi32, #tpu.memory_space<vmem>>, %arg6: memref<80x768xf32, #tpu.memory_space<vmem>>, %arg7: memref<80x768xf32, #tpu.memory_space<vmem>>, %arg8: memref<!tpu.dma_semaphore, #tpu.memory_space<semaphore_mem>>, %arg9: memref<!tpu.dma_semaphore, #tpu.memory_space<semaphore_mem>>, %arg10: memref<!tpu.dma_semaphore, #tpu.memory_space<semaphore_mem>>, %arg11: memref<!tpu.dma_semaphore, #tpu.memory_space<semaphore_mem>>) attributes {dimension_semantics = [#tpu.dimension_semantics<core_parallel>, #tpu.dimension_semantics<subcore_parallel>], iteration_bounds = array<i64: 2, 16>, scalar_prefetch = 0 : i64, scratch_operands = 7 : i64, tpu.core_type = #tpu.core_type<sc_vector_subcore>, window_params = [{transform_indices = #map}, {transform_indices = #map1}, {transform_indices = #map1}]} {
    %mul3A = arith.constant 2 : i32
    %mul3A_0 = arith.muli %arg1, %mul3A : i32
    %add3A = arith.addi %mul3A_0, %arg0 : i32
    %mul3A_1 = arith.constant 1600 : i32
    %mul3A_2 = arith.muli %add3A, %mul3A_1 : i32
    "tpu.region"() ({
      %run_scoped3A = tpu.sem_alloc : memref<!tpu.dma_semaphore, #tpu.memory_space<semaphore_mem>>
      %dma_start3A = tpu.memref_slice %arg2[%mul3A_2] : memref<51200xi32, #tpu.memory_space<hbm>> -> memref<1600xi32, #tpu.memory_space<hbm>>
      %dma_start3A_7 = tpu.memref_slice %arg2[%mul3A_2] : memref<51200xi32, #tpu.memory_space<hbm>> -> memref<1600xi32, #tpu.memory_space<hbm>>
      tpu.enqueue_dma source(%dma_start3A_7 : memref<1600xi32, #tpu.memory_space<hbm>>) target(%arg5 : memref<1600xi32, #tpu.memory_space<vmem>>) target_semaphore(%run_scoped3A : memref<!tpu.dma_semaphore, #tpu.memory_space<semaphore_mem>>)
      %dma_wait3A = tpu.memref_slice %arg2[%mul3A_2] : memref<51200xi32, #tpu.memory_space<hbm>> -> memref<1600xi32, #tpu.memory_space<hbm>>
      %dma_wait3A_8 = tpu.memref_slice %arg2[%mul3A_2] : memref<51200xi32, #tpu.memory_space<hbm>> -> memref<1600xi32, #tpu.memory_space<hbm>>
      tpu.wait_dma2 semaphore(%run_scoped3A : memref<!tpu.dma_semaphore, #tpu.memory_space<semaphore_mem>>) src(%dma_wait3A_8 : memref<1600xi32, #tpu.memory_space<hbm>>) dst(%arg5 : memref<1600xi32, #tpu.memory_space<vmem>>)
      tpu.yield
    }) : () -> ()
    %scan3A = arith.constant 0 : i32
    %scan3A_3 = arith.constant 10 : i32
    %scan3A_4 = arith.addi %scan3A, %scan3A_3 : i32
    %scan3A_5 = arith.constant 1 : i32
    scf.for %scan3A_7 = %scan3A to %scan3A_4 step %scan3A_5  : i32 {
      %mul3A_8 = arith.constant 1 : i32
      %mul3A_9 = arith.muli %scan3A_7, %mul3A_8 : i32
      %add3A_10 = arith.constant 0 : i32
      %add3A_11 = arith.addi %add3A_10, %mul3A_9 : i32
      %mul3A_12 = arith.constant 160 : i32
      %mul3A_13 = arith.muli %add3A_11, %mul3A_12 : i32
      %multiple_of3A = tpu.assume_multiple %mul3A_13, 8 : i32
      %dma_start3A = tpu.memref_slice %arg5[%multiple_of3A] : memref<1600xi32, #tpu.memory_space<vmem>> -> memref<80xi32, #tpu.memory_space<vmem>>
      %dma_start3A_14 = arith.constant 0 : i32
      %dma_start3A_15 = arith.constant 0 : i32
      %dma_start3A_16 = tpu.memref_slice %arg3[%dma_start3A_14, %dma_start3A_15] : memref<100000x768xf32, #tpu.memory_space<hbm>> -> memref<100000x768xf32, #tpu.memory_space<hbm>>
      tpu.enqueue_indirect_dma source(%dma_start3A_16 : memref<100000x768xf32, #tpu.memory_space<hbm>>) target(%arg6 : memref<80x768xf32, #tpu.memory_space<vmem>>) offsets(%dma_start3A : memref<80xi32, #tpu.memory_space<vmem>>) semaphore(%arg8 : memref<!tpu.dma_semaphore, #tpu.memory_space<semaphore_mem>>)
      %add3A_17 = arith.constant 80 : i32
      %add3A_18 = arith.addi %multiple_of3A, %add3A_17 : i32
      %dma_start3A_19 = tpu.memref_slice %arg5[%add3A_18] : memref<1600xi32, #tpu.memory_space<vmem>> -> memref<80xi32, #tpu.memory_space<vmem>>
      %dma_start3A_20 = arith.constant 0 : i32
      %dma_start3A_21 = arith.constant 0 : i32
      %dma_start3A_22 = tpu.memref_slice %arg3[%dma_start3A_20, %dma_start3A_21] : memref<100000x768xf32, #tpu.memory_space<hbm>> -> memref<100000x768xf32, #tpu.memory_space<hbm>>
      tpu.enqueue_indirect_dma source(%dma_start3A_22 : memref<100000x768xf32, #tpu.memory_space<hbm>>) target(%arg7 : memref<80x768xf32, #tpu.memory_space<vmem>>) offsets(%dma_start3A_19 : memref<80xi32, #tpu.memory_space<vmem>>) semaphore(%arg9 : memref<!tpu.dma_semaphore, #tpu.memory_space<semaphore_mem>>)
      %dma_wait3A = tpu.memref_slice %arg5[%multiple_of3A] : memref<1600xi32, #tpu.memory_space<vmem>> -> memref<80xi32, #tpu.memory_space<vmem>>
      %dma_wait3A_23 = arith.constant 0 : i32
      %dma_wait3A_24 = arith.constant 0 : i32
      %dma_wait3A_25 = tpu.memref_slice %arg3[%dma_wait3A_23, %dma_wait3A_24] : memref<100000x768xf32, #tpu.memory_space<hbm>> -> memref<100000x768xf32, #tpu.memory_space<hbm>>
      tpu.wait_indirect_dma semaphore(%arg8 : memref<!tpu.dma_semaphore, #tpu.memory_space<semaphore_mem>>) src(%dma_wait3A_25 : memref<100000x768xf32, #tpu.memory_space<hbm>>) dst(%arg6 : memref<80x768xf32, #tpu.memory_space<vmem>>)
      %add3A_26 = arith.addi %mul3A_2, %multiple_of3A : i32
      %dma_start3A_27 = arith.constant 0 : i32
      %dma_start3A_28 = tpu.memref_slice %arg4[%add3A_26, %dma_start3A_27] : memref<51200x768xf32, #tpu.memory_space<hbm>> -> memref<80x768xf32, #tpu.memory_space<hbm>>
      %dma_start3A_29 = arith.constant 0 : i32
      %dma_start3A_30 = tpu.memref_slice %arg4[%add3A_26, %dma_start3A_29] : memref<51200x768xf32, #tpu.memory_space<hbm>> -> memref<80x768xf32, #tpu.memory_space<hbm>>
      tpu.enqueue_dma source(%arg6 : memref<80x768xf32, #tpu.memory_space<vmem>>) target(%dma_start3A_30 : memref<80x768xf32, #tpu.memory_space<hbm>>) target_semaphore(%arg10 : memref<!tpu.dma_semaphore, #tpu.memory_space<semaphore_mem>>)
      %dma_wait3A_31 = tpu.memref_slice %arg5[%add3A_18] : memref<1600xi32, #tpu.memory_space<vmem>> -> memref<80xi32, #tpu.memory_space<vmem>>
      %dma_wait3A_32 = arith.constant 0 : i32
      %dma_wait3A_33 = arith.constant 0 : i32
      %dma_wait3A_34 = tpu.memref_slice %arg3[%dma_wait3A_32, %dma_wait3A_33] : memref<100000x768xf32, #tpu.memory_space<hbm>> -> memref<100000x768xf32, #tpu.memory_space<hbm>>
      tpu.wait_indirect_dma semaphore(%arg9 : memref<!tpu.dma_semaphore, #tpu.memory_space<semaphore_mem>>) src(%dma_wait3A_34 : memref<100000x768xf32, #tpu.memory_space<hbm>>) dst(%arg7 : memref<80x768xf32, #tpu.memory_space<vmem>>)
      %add3A_35 = arith.addi %mul3A_2, %multiple_of3A : i32
      %add3A_36 = arith.constant 80 : i32
      %add3A_37 = arith.addi %add3A_35, %add3A_36 : i32
      %dma_start3A_38 = arith.constant 0 : i32
      %dma_start3A_39 = tpu.memref_slice %arg4[%add3A_37, %dma_start3A_38] : memref<51200x768xf32, #tpu.memory_space<hbm>> -> memref<80x768xf32, #tpu.memory_space<hbm>>
      %dma_start3A_40 = arith.constant 0 : i32
      %dma_start3A_41 = tpu.memref_slice %arg4[%add3A_37, %dma_start3A_40] : memref<51200x768xf32, #tpu.memory_space<hbm>> -> memref<80x768xf32, #tpu.memory_space<hbm>>
      tpu.enqueue_dma source(%arg7 : memref<80x768xf32, #tpu.memory_space<vmem>>) target(%dma_start3A_41 : memref<80x768xf32, #tpu.memory_space<hbm>>) target_semaphore(%arg11 : memref<!tpu.dma_semaphore, #tpu.memory_space<semaphore_mem>>)
      %dma_wait3A_42 = arith.constant 0 : i32
      %dma_wait3A_43 = tpu.memref_slice %arg4[%add3A_26, %dma_wait3A_42] : memref<51200x768xf32, #tpu.memory_space<hbm>> -> memref<80x768xf32, #tpu.memory_space<hbm>>
      %dma_wait3A_44 = arith.constant 0 : i32
      %dma_wait3A_45 = tpu.memref_slice %arg4[%add3A_26, %dma_wait3A_44] : memref<51200x768xf32, #tpu.memory_space<hbm>> -> memref<80x768xf32, #tpu.memory_space<hbm>>
      tpu.wait_dma2 semaphore(%arg10 : memref<!tpu.dma_semaphore, #tpu.memory_space<semaphore_mem>>) src(%arg6 : memref<80x768xf32, #tpu.memory_space<vmem>>) dst(%dma_wait3A_45 : memref<80x768xf32, #tpu.memory_space<hbm>>)
      %dma_wait3A_46 = arith.constant 0 : i32
      %dma_wait3A_47 = tpu.memref_slice %arg4[%add3A_37, %dma_wait3A_46] : memref<51200x768xf32, #tpu.memory_space<hbm>> -> memref<80x768xf32, #tpu.memory_space<hbm>>
      %dma_wait3A_48 = arith.constant 0 : i32
      %dma_wait3A_49 = tpu.memref_slice %arg4[%add3A_37, %dma_wait3A_48] : memref<51200x768xf32, #tpu.memory_space<hbm>> -> memref<80x768xf32, #tpu.memory_space<hbm>>
      tpu.wait_dma2 semaphore(%arg11 : memref<!tpu.dma_semaphore, #tpu.memory_space<semaphore_mem>>) src(%arg7 : memref<80x768xf32, #tpu.memory_space<vmem>>) dst(%dma_wait3A_49 : memref<80x768xf32, #tpu.memory_space<hbm>>)
    }
    %scan3A_6 = arith.constant 10 : i32
    return
  }
}

module attributes {stable_mosaic.version = 14 : i64} {
  func.func @_tc_body(%arg0: i32, %arg1: memref<1024x768xf32, #tpu.memory_space<vmem>>, %arg2: memref<1x1x768xf32, #tpu.memory_space<vmem>>, %arg3: memref<1x768xf32, #tpu.memory_space<vmem>>, %arg4: memref<1x768xf32, #tpu.memory_space<vmem>>, %arg5: memref<768x768xf32, #tpu.memory_space<vmem>>, %arg6: memref<1x768xf32, #tpu.memory_space<vmem>>, %arg7: memref<1x1024x768xf32, #tpu.memory_space<vmem>>) attributes {dimension_semantics = [#tpu.dimension_semantics<arbitrary>], iteration_bounds = array<i64: 50>, scalar_prefetch = 0 : i64, scratch_operands = 0 : i64, tpu.core_type = #tpu.core_type<tc>, window_params = [{transform_indices = @transform_0, window_bounds = array<i64: 1024, 768>}, {transform_indices = @transform_1, window_bounds = array<i64: 1, 1, 768>}, {pipeline_mode = #tpu.pipeline_mode<synchronous>, transform_indices = @transform_2, window_bounds = array<i64: 1, 768>}, {pipeline_mode = #tpu.pipeline_mode<synchronous>, transform_indices = @transform_3, window_bounds = array<i64: 1, 768>}, {pipeline_mode = #tpu.pipeline_mode<synchronous>, transform_indices = @transform_4, window_bounds = array<i64: 768, 768>}, {pipeline_mode = #tpu.pipeline_mode<synchronous>, transform_indices = @transform_5, window_bounds = array<i64: 1, 768>}, {transform_indices = @transform_6, window_bounds = array<i64: 1, 1024, 768>}]} {
    %get3A = arith.constant 0 : index
    %get3A_0 = arith.constant 0 : index
    %get3A_1 = vector.load %arg1[%get3A, %get3A_0] : memref<1024x768xf32, #tpu.memory_space<vmem>>, vector<1024x768xf32>
    %get3A_2 = arith.constant 0 : index
    %get3A_3 = arith.constant 0 : index
    %get3A_4 = arith.constant 0 : index
    %get3A_5 = vector.load %arg2[%get3A_2, %get3A_3, %get3A_4] : memref<1x1x768xf32, #tpu.memory_space<vmem>>, vector<1x1x768xf32>
    %get3A_6 = vector.shape_cast %get3A_5 : vector<1x1x768xf32> to vector<1x768xf32>
    %add3A = vector.broadcast %get3A_6 : vector<1x768xf32> to vector<1024x768xf32>
    %add3A_7 = arith.addf %get3A_1, %add3A : vector<1024x768xf32>
    %reduce_sum3A = arith.constant dense<0.000000e+00> : vector<1024xf32>
    %reduce_sum3A_8 = vector.multi_reduction <add>, %add3A_7, %reduce_sum3A [1] : vector<1024x768xf32> to vector<1024xf32>
    %broadcast_in_dim3A = vector.shape_cast %reduce_sum3A_8 : vector<1024xf32> to vector<1024x1xf32>
    %div3A = arith.constant 7.680000e+02 : f32
    %div3A_9 = vector.broadcast %div3A : f32 to vector<1024x1xf32>
    %div3A_10 = arith.divf %broadcast_in_dim3A, %div3A_9 : vector<1024x1xf32>
    %sub3A = vector.broadcast %div3A_10 : vector<1024x1xf32> to vector<1024x768xf32>
    %sub3A_11 = arith.subf %add3A_7, %sub3A : vector<1024x768xf32>
    %mul3A = arith.mulf %sub3A_11, %sub3A_11 : vector<1024x768xf32>
    %reduce_sum3A_12 = arith.constant dense<0.000000e+00> : vector<1024xf32>
    %reduce_sum3A_13 = vector.multi_reduction <add>, %mul3A, %reduce_sum3A_12 [1] : vector<1024x768xf32> to vector<1024xf32>
    %broadcast_in_dim3A_14 = vector.shape_cast %reduce_sum3A_13 : vector<1024xf32> to vector<1024x1xf32>
    %div3A_15 = arith.constant 7.680000e+02 : f32
    %div3A_16 = vector.broadcast %div3A_15 : f32 to vector<1024x1xf32>
    %div3A_17 = arith.divf %broadcast_in_dim3A_14, %div3A_16 : vector<1024x1xf32>
    %add3A_18 = arith.constant 9.99999996E-13 : f32
    %add3A_19 = vector.broadcast %add3A_18 : f32 to vector<1024x1xf32>
    %add3A_20 = arith.addf %div3A_17, %add3A_19 : vector<1024x1xf32>
    %rsqrt3A = math.rsqrt %add3A_20 : vector<1024x1xf32>
    %mul3A_21 = vector.broadcast %rsqrt3A : vector<1024x1xf32> to vector<1024x768xf32>
    %mul3A_22 = arith.mulf %sub3A_11, %mul3A_21 : vector<1024x768xf32>
    %get3A_23 = arith.constant 0 : index
    %get3A_24 = arith.constant 0 : index
    %get3A_25 = vector.load %arg3[%get3A_23, %get3A_24] : memref<1x768xf32, #tpu.memory_space<vmem>>, vector<1x768xf32>
    %mul3A_26 = vector.broadcast %get3A_25 : vector<1x768xf32> to vector<1024x768xf32>
    %mul3A_27 = arith.mulf %mul3A_22, %mul3A_26 : vector<1024x768xf32>
    %get3A_28 = arith.constant 0 : index
    %get3A_29 = arith.constant 0 : index
    %get3A_30 = vector.load %arg4[%get3A_28, %get3A_29] : memref<1x768xf32, #tpu.memory_space<vmem>>, vector<1x768xf32>
    %add3A_31 = vector.broadcast %get3A_30 : vector<1x768xf32> to vector<1024x768xf32>
    %add3A_32 = arith.addf %mul3A_27, %add3A_31 : vector<1024x768xf32>
    %convert_element_type3A = arith.truncf %add3A_32 : vector<1024x768xf32> to vector<1024x768xbf16>
    %get3A_33 = arith.constant 0 : index
    %get3A_34 = arith.constant 0 : index
    %get3A_35 = vector.load %arg5[%get3A_33, %get3A_34] : memref<768x768xf32, #tpu.memory_space<vmem>>, vector<768x768xf32>
    %convert_element_type3A_36 = arith.truncf %get3A_35 : vector<768x768xf32> to vector<768x768xbf16>
    %dot_general3A = arith.constant dense<0.000000e+00> : vector<1024x768xf32>
    %dot_general3A_37 = tpu.matmul %convert_element_type3A, %convert_element_type3A_36, %dot_general3A {dimension_numbers = #tpu.dot_dimension_numbers<[1], [0], [0], [1], [0, 0, 1, 1], [], []>, transpose_lhs_hint = false} : vector<1024x768xbf16>, vector<768x768xbf16>, vector<1024x768xf32> -> vector<1024x768xf32>
    %get3A_38 = arith.constant 0 : index
    %get3A_39 = arith.constant 0 : index
    %get3A_40 = vector.load %arg6[%get3A_38, %get3A_39] : memref<1x768xf32, #tpu.memory_space<vmem>>, vector<1x768xf32>
    %add3A_41 = vector.broadcast %get3A_40 : vector<1x768xf32> to vector<1024x768xf32>
    %add3A_42 = arith.addf %dot_general3A_37, %add3A_41 : vector<1024x768xf32>
    %swap3A = arith.constant 0 : index
    %swap3A_43 = arith.constant 0 : index
    %swap3A_44 = arith.constant 0 : index
    %swap3A_45 = vector.load %arg7[%swap3A, %swap3A_43, %swap3A_44] : memref<1x1024x768xf32, #tpu.memory_space<vmem>>, vector<1x1024x768xf32>
    %swap3A_46 = vector.shape_cast %swap3A_45 : vector<1x1024x768xf32> to vector<1024x768xf32>
    %swap3A_47 = vector.shape_cast %add3A_42 : vector<1024x768xf32> to vector<1x1024x768xf32>
    tpu.vector_store %arg7[%swap3A, %swap3A_43, %swap3A_44], %swap3A_47 {strides = array<i32>} : memref<1x1024x768xf32, #tpu.memory_space<vmem>>, vector<1x1024x768xf32>,
    return
  }
  func.func @transform_0(%arg0: i32) -> (i32, i32) {
    %c0_i32 = arith.constant 0 : i32
    %c0_i32_0 = arith.constant 0 : i32
    return %arg0, %c0_i32 : i32, i32
  }
  func.func @transform_1(%arg0: i32) -> (i32, i32, i32) {
    %c0_i32 = arith.constant 0 : i32
    %c0_i32_0 = arith.constant 0 : i32
    %c0_i32_1 = arith.constant 0 : i32
    return %arg0, %c0_i32, %c0_i32_0 : i32, i32, i32
  }
  func.func @transform_2(%arg0: i32) -> (i32, i32) {
    %c0_i32 = arith.constant 0 : i32
    %c0_i32_0 = arith.constant 0 : i32
    %c0_i32_1 = arith.constant 0 : i32
    return %c0_i32, %c0_i32_0 : i32, i32
  }
  func.func @transform_3(%arg0: i32) -> (i32, i32) {
    %c0_i32 = arith.constant 0 : i32
    %c0_i32_0 = arith.constant 0 : i32
    %c0_i32_1 = arith.constant 0 : i32
    return %c0_i32, %c0_i32_0 : i32, i32
  }
  func.func @transform_4(%arg0: i32) -> (i32, i32) {
    %c0_i32 = arith.constant 0 : i32
    %c0_i32_0 = arith.constant 0 : i32
    %c0_i32_1 = arith.constant 0 : i32
    return %c0_i32, %c0_i32_0 : i32, i32
  }
  func.func @transform_5(%arg0: i32) -> (i32, i32) {
    %c0_i32 = arith.constant 0 : i32
    %c0_i32_0 = arith.constant 0 : i32
    %c0_i32_1 = arith.constant 0 : i32
    return %c0_i32, %c0_i32_0 : i32, i32
  }
  func.func @transform_6(%arg0: i32) -> (i32, i32, i32) {
    %c0_i32 = arith.constant 0 : i32
    %c0_i32_0 = arith.constant 0 : i32
    %c0_i32_1 = arith.constant 0 : i32
    return %arg0, %c0_i32, %c0_i32_0 : i32, i32, i32
  }
}

</mosaic_0001>

<sc_bundles>
// kernel: kernel.4.cloned.1.call-start
scs
__scs_entry_jumppad:
0x0: {  	(pc) =	sbr.rel $0x88, $3  }
0x1: {  	(tag) =	ssettag $0x0;
	lr =	simm.s32 $0x1  }
0x2: {  	[smem:$0x3F9A] =	sst lr;
	_ =	strace $0xD0000000  }
0x3: {  	_ = 	snop  }
0x4: {  	_ = 	snop  }
0x5: {  	_ = 	snop  }
0x6: {  	_ = 	snop  }
0x7: {  	_ = 	snop  }
__scs_overlays_trampoline_lowered:
0x8: {  	[smem:$0x3FA9] =	sst s0  }
0x9: {  	[smem:$0x3FAA] =	sst s1  }
0xa: {  	[smem:$0x3FAB] =	sst s2  }
0xb: {  	[smem:$0x3FAC] =	sst s3  }
0xc: {  	[smem:$0x3FAD] =	sst s4  }
0xd: {  	[smem:$0x3FAE] =	sst s5  }
0xe: {  	[smem:$0x3FAF] =	sst s6  }
0xf: {  	[smem:$0x3FB0] =	sst s7  }
0x10: {  	[smem:$0x3FB1] =	sst s8  }
0x11: {  	[smem:$0x3FB2] =	sst s9;
	s0 =	simm.s32 @!p0 $0x0  }
0x12: {  	s1 =	sld [smem:$0x3F98];
	s0 =	simm.s32 @p0 $0x1  }
0x13: {  	[smem:$0x3FB3] =	sst s0;
	s0 =	simm.s32 @!p1 $0x0  }
0x14: {  	s2 =	sld [smem:$0x3F97];
	s0 =	simm.s32 @p1 $0x1  }
0x15: {  	[smem:$0x3FB4] =	sst s0;
	s0 =	simm.s32 @!p2 $0x0  }
0x16: {  	s3 =	sld [smem:$0x3FDB];
	s0 =	simm.s32 @p2 $0x1  }
0x17: {  	s4 =	simm.s32 $0x1BF5;
	[smem:$0x3FB6] =	sst s0  }
0x18: {  	s0 =	sld [smem:$0x3F99];
	_ =	swait.ge [sflag:s4], $0x0  }
0x19: {  	s7 =	sld [smem:$0x3F9A]  }
0x1a: {  	s8 =	sadd.s32 $0xFFFFE003, lr  }
0x1b: {  	s9 =	sadd.s32 $0xFFFFFEF7, lr;
	s5 =	simm.s32 $0xFFFFFFFF;
	p2 =	slt.u32 s8, $0xFFFFF086  }
0x1c: {  	p1 =	slt.u32 s9, $0xF7A;
	s5 =	simm.s32 @!p2 $0x0  }
0x1d: {  	s5 =	simm.s32 @p1 $0x1;
	p0 =	seq.s32 s7, s2  }
0x1e: {  	s7 =	smul.u32 @!p0 $0xF7A, s2;
	p2 =	seq.s32 @!p0 s5, $0x0  }
0x1f: {  	s9 =	smul.u32 $0xF7A, s1;
	s8 =	simm.s32 @!p0 $0x1BF5;
	p2 =	por !p2, p0  }
0x20: {  	[sflag:s8] =	ssyncset.s32 @!p0 $0xFFFFF086;
	s6 =	sadd.s32 @!p0 s3, s7;
	s7 =	simm.s32 @!p0 $0x108  }
0x21: {  	s3 =	sadd.s32 s3, s9;
	s6 =	sadd.s32 @!p0 $0x88, s6;
	s7 =	simm.s32 @p2 $0x1082  }
0x22: {  	[simem:s7], [sflag:s8] =	dma.local @!p0 [hbm:s6], $0xF7A  }
0x23: {  	s9 =	sor.u32 $0xD0000000, s2;
	s6 =	simm.s32 $0x108;
	_ =	swait.ge @!p0 [sflag:s8], $0x0  }
0x24: {  	s3 =	sadd.s32 $0x88, s3;
	s6 =	simm.s32 @!p1 $0x1082;
	[sflag:s4] =	ssyncset.s32 $0xFFFFF086  }
0x25: {  	[simem:s6], [sflag:s4] =	dma.local [hbm:s3], $0xF7A  }
0x26: {  	[smem:$0x3F9A] =	sst s1;
	(tag) =	ssettag s2;
	_ =	strace s9  }
0x27: {  	s1 =	sld [smem:$0x3FAA]  }
0x28: {  	s2 =	sld [smem:$0x3FAB]  }
0x29: {  	s4 =	sld [smem:$0x3FAD]  }
0x2a: {  	p0 =	seq.s32 s5, $0x0;
	s5 =	sld [smem:$0x3FAE]  }
0x2b: {  	s6 =	sld [smem:$0x3FAF]  }
0x2c: {  	s7 =	sld [smem:$0x3FB0]  }
0x2d: {  	s3 =	simm.s32 $0x108;
	s8 =	sld [smem:$0x3FB1]  }
0x2e: {  	s3 =	simm.s32 @!p0 $0x1082;
	s9 =	sld [smem:$0x3FB2]  }
0x2f: {  	lr =	sadd.s32 s0, s3;
	s0 =	sld [smem:$0x3FA9]  }
0x30: {  	s3 =	sld [smem:$0x3FAC]  }
0x31: {  	[smem:$0x3FB5] =	sst s10  }
0x32: {  	s10 =	sld [smem:$0x3FB3];
	_ =	sdelay $0x3  }
0x33: {  	p0 =	seq.s32 s10, $0x1;
	s10 =	sld [smem:$0x3FB5];
	_ =	sdelay $0x3  }
0x34: {  	[smem:$0x3FB5] =	sst s10  }
0x35: {  	s10 =	sld [smem:$0x3FB4];
	_ =	sdelay $0x3  }
0x36: {  	p1 =	seq.s32 s10, $0x1;
	s10 =	sld [smem:$0x3FB5];
	_ =	sdelay $0x3  }
0x37: {  	[smem:$0x3FB5] =	sst s10  }
0x38: {  	s10 =	sld [smem:$0x3FB6]  }
0x39: {  	_ = 	snop;
	(pc) =	sbr.ind lr, $3  }
0x3a: {  	_ = 	snop  }
0x3b: {  	_ = 	snop  }
0x3c: {  	p2 =	seq.s32 s10, $0x1;
	s10 =	sld [smem:$0x3FB5]  }
0x3d: {  	_ =	shalt  }
0x3e: {  	_ =	shalt  }
0x3f: {  	_ =	shalt  }
0x40: {  	_ =	shalt  }
0x41: {  	_ =	shalt  }
0x42: {  	_ =	shalt  }
0x43: {  	_ =	shalt  }
0x44: {  	_ =	shalt  }
0x45: {  	_ =	shalt  }
0x46: {  	_ =	shalt  }
0x47: {  	_ =	shalt  }
0x48: {  	_ =	shalt  }
0x49: {  	_ =	shalt  }
0x4a: {  	_ =	shalt  }
0x4b: {  	_ =	shalt  }
0x4c: {  	_ =	shalt  }
0x4d: {  	_ =	shalt  }
0x4e: {  	_ =	shalt  }
0x4f: {  	_ =	shalt  }
0x50: {  	_ =	shalt  }
0x51: {  	_ =	shalt  }
0x52: {  	_ =	shalt  }
0x53: {  	_ =	shalt  }
0x54: {  	_ =	shalt  }
0x55: {  	_ =	shalt  }
0x56: {  	_ =	shalt  }
0x57: {  	_ =	shalt  }
0x58: {  	_ =	shalt  }
0x59: {  	_ =	shalt  }
0x5a: {  	_ =	shalt  }
0x5b: {  	_ =	shalt  }
0x5c: {  	_ =	shalt  }
0x5d: {  	_ =	shalt  }
0x5e: {  	_ =	shalt  }
0x5f: {  	_ =	shalt  }
0x60: {  	_ =	shalt  }
0x61: {  	_ =	shalt  }
0x62: {  	_ =	shalt  }
0x63: {  	_ =	shalt  }
0x64: {  	_ =	shalt  }
0x65: {  	_ =	shalt  }
0x66: {  	_ =	shalt  }
0x67: {  	_ =	shalt  }
0x68: {  	_ =	shalt  }
0x69: {  	_ =	shalt  }
0x6a: {  	_ =	shalt  }
0x6b: {  	_ =	shalt  }
0x6c: {  	_ =	shalt  }
0x6d: {  	_ =	shalt  }
0x6e: {  	_ =	shalt  }
0x6f: {  	_ =	shalt  }
0x70: {  	_ =	shalt  }
0x71: {  	_ =	shalt  }
0x72: {  	_ =	shalt  }
0x73: {  	_ =	shalt  }
0x74: {  	_ =	shalt  }
0x75: {  	_ =	shalt  }
0x76: {  	_ =	shalt  }
0x77: {  	_ =	shalt  }
0x78: {  	_ =	shalt  }
0x79: {  	_ =	shalt  }
0x7a: {  	_ =	shalt  }
0x7b: {  	_ =	shalt  }
0x7c: {  	_ =	shalt  }
0x7d: {  	_ =	shalt  }
0x7e: {  	_ =	shalt  }
0x7f: {  	_ =	shalt  }
0x80: {  	_ =	shalt  }
0x81: {  	_ =	shalt  }
0x82: {  	_ =	shalt  }
0x83: {  	_ =	shalt  }
0x84: {  	_ =	shalt  }
0x85: {  	_ =	shalt  }
0x86: {  	_ =	shalt  }
0x87: {  	_ =	shalt  }
.Lfunc_end0:
.L_simem_size_0:
called_computation_lowered:
.L_overlay_start_0:
0x88: {  	s2 =	sld [smem:$0x3FD9]  }
0x89: {  	s3 =	sld [smem:$0x3FFE];
	_ =	sdelay $0x1  }
0x8a: {  	s1 =	srdreg.scid  }
0x8b: {  	s0 =	sand.u32 $0x1, s1  }
0x8c: {  	s17 =	sshll.u32 s0, $0xA;
	s2 =	sadd.s32 s3, s2  }
0x8d: {  	s2 =	sadd.s32 s2, s17  }
0x8e: {  	[smem:$0x3FC1] =	sst s2  }
0x8f: {  	_ = 	snop  }
0x90: {  	s2 =	sld [smem:$0x3FC8]  }
0x91: {  	s18 =	sld [smem:$0x3FD0];
	(tm) =	ssettm $0x1  }
0x92: {  	s4 =	sld [smem:$0x3FFB];
	_ =	sdelay $0x3  }
0x93: {  	_ =	strace s4  }
0x94: {  	s4 =	sld [smem:$0x3FFC];
	_ =	sdelay $0x3  }
0x95: {  	_ =	strace s4  }
0x96: {  	s4 =	sld [smem:$0x3FFD];
	_ =	sdelay $0x3  }
0x97: {  	_ =	strace s4  }
0x98: {  	_ =	strace $0x8FFFFFFF  }
0x99: {  	s19 =	sld [smem:$0x3FDB];
	_ =	sdelay $0x1  }
0x9a: {  	s5 =	simm.s32 $_scs_section_size  }
0x9b: {  	s6 =	simm.s32 $_size__tile_overlayer_lowered;
	s7 =	simm.s32 $_tile_overlayer_lowered  }
0x9c: {  	s22 =	simm.s32 $0x1BFF;
	s21 =	sshll.u32 s7, $0x1;
	s4 =	sadd.s32 s5, s19  }
0x9d: {  	s8 =	simm.s32 $0x0;
	s20 =	sshll.u32 s6, $0x1;
	s6 =	sadd.s32 s21, s4  }
0x9e: {  	[timem:s8], [sflag:s22] =	dma.local [hbm:s6], s20  }
0x9f: {  	_ =	swait.ge [sflag:s22], s20  }
0xa0: {  	s5 =	ssub.s32 $0x0, s20;
	[sflag:s22] =	ssyncset.done $0x0  }
0xa1: {  	[sflag:s22] =	ssyncadd.s32 s5;
	_ =	sdelay $0x1  }
0xa2: {  	s23 =	simm.s32 $0x1B8B  }
0xa3: {  	_ =	swait.ge [sflag:s23], $0x1  }
0xa4: {  	[sflag:s23] =	ssyncset.done $0x0  }
0xa5: {  	s25 =	simm.s32 $0x1B8E;
	s24 =	sld [smem:$0x3FFE];
	[sflag:s23] =	ssyncadd.s32 $0xFFFFFFFF  }
0xa6: {  	s26 =	simm.s32 $execute0_lowered;
	[smem:$0x3FD2] =	sst s25  }
0xa7: {  	s6 =	sshll.u32 s26, $0x1;
	_ =	strace $0x80000046;
	[dreg:$0x1] =	wrdreg $0xFFFFFFFF  }
0xa8: {  	s28 =	simm.s32 $_size_execute0_lowered;
	s4 =	sadd.s32 s4, s6;
	[dreg:$0x0] =	wrdreg $0x0  }
0xa9: {  	s6 =	sshll.u32 s28, $0x1;
	[dreg:$0x2] =	wrdreg s4  }
0xaa: {  	[dreg:$0x3] =	wrdreg s6  }
0xab: {  	[dreg:$0x4] =	wrdreg $0xC0  }
0xac: {  	_ =	task [dreg:s8], $0x5FFFF  }
0xad: {  	[dreg:$0x1] =	wrdreg $0xFFFFFFFF  }
0xae: {  	[dreg:$0x0] =	wrdreg $0x60  }
0xaf: {  	[dreg:$0x2] =	wrdreg s18  }
0xb0: {  	[dreg:$0x3] =	wrdreg s2  }
0xb1: {  	[dreg:$0x4] =	wrdreg s24  }
0xb2: {  	[dreg:$0x5] =	wrdreg $0x9  }
0xb3: {  	_ =	task.clear_ibuf [dreg:s8], $0x6FFFF;
	_ =	strace $0x90000046  }
0xb4: {  	s29 =	simm.s32 $0x9;
	_ =	strace $0x80000048  }
0xb5: {  	_ =	swait.ge [sflag:s29], $0x1  }
0xb6: {  	[sflag:s29] =	ssyncadd.s32 $0xFFFFFFFF  }
0xb7: {  	_ =	strace $0x90000048  }
0xb8: {  	_ =	sfence  }
0xb9: {  	s30 =	sld [smem:$0x0];
	_ =	sdelay $0x2  }
0xba: {  	s31 =	sshll.u32 s1, $0xD;
	s1 =	sshrl.u32 s1, $0x2  }
0xbb: {  	s3 =	sand.u32 $0x4000, s31;
	s1 =	sadd.s32 s1, s30  }
0xbc: {  	s0 =	sor.u32 s3, s0;
	s1 =	sshll.u32 s1, $0x11  }
0xbd: {  	s0 =	sor.u32 s1, s0  }
0xbe: {  	s0 =	sadd.s32 $0x8F2B, s0  }
0xbf: {  	[sflag:s0] =	ssyncadd.remote.s32 $0x1  }
0xc0: {  	_ =	sfence.sel $0xFFFF  }
0xc1: {  	[dreg:$0x0] =	wrdreg $0xFFFFFFFF;
	(pc) =	sbr.abs _section_cstart, $3  }
0xc2: {  	[dreg:$0x1] =	wrdreg $0xFFFFFFFF  }
0xc3: {  	_ =	task.clear_ibuf [dreg:s8], $0x2FFFF;
	_ =	strace $0x9FFFFFFF  }
0xc4: {  	(tm) =	ssettm $0x7FFFFFFF  }
0xc5: {  	_ =	shalt  }
tec
execute0_lowered:
.L_overlay_start_1:
0x0: {  	(tag) =	ssettag $0x1  }
0x1: {  	s0 =	srdreg.scid;
	s7 =	stileid.u32  }
0x2: {  	s1 =	sand.u32 $0x1, s0;
	s3 =	smul.u32 $0xC80, s7  }
0x3: {  	s4 =	smul.u32 $0x640, s1;
	_ =	sdelay $0x1  }
0x4: {  	s2 =	rddreg [dreg:$0x1];
	s4 =	sadd.s32 s4, s3  }
0x5: {  	s5 =	rddreg [dreg:$0x2];
	s3 =	sadd.s32 $0x50, s4  }
0x6: {  	s0 =	rddreg [dreg:$0x0];
	s6 =	sshrl.u32 s3, $0x3;
	s3 =	simm.s32 $0x0  }
0x7: {  	s22 =	simm.s32 $0xE80;
	[smem:$0x7FF] =	sst s3  }
0x8: {  	s23 =	simm.s32 $0x1680;
	_ =	strace $0x80000047;
	[dreg:$0x6] =	wrdreg s22  }
0x9: {  	s24 =	simm.s32 $0x1E80;
	[dreg:$0x7] =	wrdreg s23  }
0xa: {  	s25 =	simm.s32 $0x2680;
	[dreg:$0x8] =	wrdreg s24  }
0xb: {  	s26 =	simm.s32 $0x2E80;
	[dreg:$0x9] =	wrdreg s25  }
0xc: {  	s8 =	simm.s32 $0x4680;
	[dreg:$0xa] =	wrdreg s26  }
0xd: {  	s9 =	simm.s32 $0x4E80;
	[dreg:$0xd] =	wrdreg s8  }
0xe: {  	s10 =	simm.s32 $0x5680;
	[dreg:$0xe] =	wrdreg s9  }
0xf: {  	s11 =	simm.s32 $0x5E80;
	[dreg:$0xf] =	wrdreg s10  }
0x10: {  	s12 =	simm.s32 $0x6680;
	[dreg:$0x10] =	wrdreg s11  }
0x11: {  	s13 =	simm.s32 $0x6E80;
	[dreg:$0x11] =	wrdreg s12  }
0x12: {  	s14 =	simm.s32 $0x7680;
	[dreg:$0x12] =	wrdreg s13  }
0x13: {  	s15 =	simm.s32 $0x7E80;
	[dreg:$0x13] =	wrdreg s14  }
0x14: {  	s16 =	simm.s32 $0x8680;
	[dreg:$0x14] =	wrdreg s15  }
0x15: {  	s17 =	simm.s32 $0x8E80;
	[dreg:$0x15] =	wrdreg s16  }
0x16: {  	s18 =	simm.s32 $0x9680;
	[dreg:$0x16] =	wrdreg s17  }
0x17: {  	s19 =	simm.s32 $0x9E80;
	s4 =	sshrl.u32 s4, $0x3;
	[dreg:$0x17] =	wrdreg s18  }
0x18: {  	s20 =	simm.s32 $0xA680;
	s4 =	smul.u32 $0x300, s4;
	[dreg:$0x18] =	wrdreg s19  }
0x19: {  	s21 =	simm.s32 $0xAE80;
	s5 =	sadd.s32 $0xE00, s5;
	[dreg:$0x19] =	wrdreg s20  }
0x1a: {  	s4 =	sadd.s32 s4, s5;
	[dreg:$0x1a] =	wrdreg s21  }
0x1b: {  	s22 =	simm.s32 $0xB680;
	[dreg:$0x5] =	wrdreg s4  }
0x1c: {  	s23 =	simm.s32 $0xBE80;
	[dreg:$0x1b] =	wrdreg s22  }
0x1d: {  	s24 =	simm.s32 $0xC680;
	[dreg:$0x1c] =	wrdreg s23  }
0x1e: {  	s25 =	simm.s32 $0xCE80;
	[dreg:$0x1d] =	wrdreg s24  }
0x1f: {  	s26 =	simm.s32 $0xD680;
	[dreg:$0x1e] =	wrdreg s25  }
0x20: {  	s28 =	simm.s32 $0x2;
	s8 =	simm.s32 $0xEE80;
	[dreg:$0x1f] =	wrdreg s26  }
0x21: {  	s29 =	simm.s32 $0x3;
	s10 =	simm.s32 $0xFE80;
	[smem:$0x7ED] =	sst s8  }
0x22: {  	s30 =	simm.s32 $0x4;
	s12 =	simm.s32 $0x10680;
	[smem:$0x7EE] =	sst s10  }
0x23: {  	s31 =	simm.s32 $0x0;
	s13 =	simm.s32 $0x10E80;
	[smem:$0x7EF] =	sst s12  }
0x24: {  	s7 =	sshll.u32 s7, $0x1;
	s14 =	simm.s32 $0x11680;
	[smem:$0x7F0] =	sst s13  }
0x25: {  	s6 =	smul.u32 $0x300, s6;
	s15 =	simm.s32 $0x11E80;
	[smem:$0x7F1] =	sst s14  }
0x26: {  	s9 =	ssub.s32 $0x2, s1;
	s17 =	simm.s32 $0x12680;
	[smem:$0x7F2] =	sst s15  }
0x27: {  	s1 =	sor.u32 s1, s7;
	s18 =	simm.s32 $0x12E80;
	[smem:$0x7F3] =	sst s17  }
0x28: {  	s19 =	simm.s32 $0x13680;
	s20 =	simm.s32 $0x13E80;
	[smem:$0x7F5] =	sst s18  }
0x29: {  	s21 =	simm.s32 $0x14680;
	s6 =	sadd.s32 s6, s5;
	[smem:$0x7F6] =	sst s19  }
0x2a: {  	s5 =	simm.s32 $0x3680;
	s11 =	sshrl.u32 s9, $0x1;
	[smem:$0x7F7] =	sst s20  }
0x2b: {  	s1 =	smul.u32 $0x640, s1;
	[smem:$0x7F9] =	sst s21;
	s23 =	simm.s32 $0x14E80  }
0x2c: {  	s8 =	simm.s32 $0x5;
	s24 =	simm.s32 $0x15680;
	s25 =	simm.s32 $0x15E80  }
0x2d: {  	s10 =	simm.s32 $0xF680;
	s26 =	simm.s32 $0x16680;
	s12 =	simm.s32 $0x17680  }
0x2e: {  	s13 =	simm.s32 $0x17E80;
	s14 =	simm.s32 $0x18680;
	[dreg:$0x4] =	wrdreg s6  }
0x2f: {  	s15 =	simm.s32 $0x18E80;
	s17 =	simm.s32 $0x19E80;
	[dreg:$0xb] =	wrdreg s5  }
0x30: {  	s18 =	simm.s32 $0x1A680;
	s19 =	simm.s32 $0x1AE80;
	[smem:$0x7FA] =	sst s23  }
0x31: {  	s20 =	simm.s32 $0x1B680;
	s21 =	simm.s32 $0x1BE80;
	[smem:$0x7FB] =	sst s24  }
0x32: {  	s6 =	simm.s32 $0x3E80;
	s5 =	simm.s32 $0xDE80;
	[smem:$0x7FC] =	sst s25  }
0x33: {  	s16 =	ssub.s32 s9, s11;
	s9 =	simm.s32 $0x680;
	[smem:$0x7FD] =	sst s26  }
0x34: {  	s11 =	simm.s32 $0x16E80;
	s23 =	simm.s32 $0x1CE80;
	s24 =	simm.s32 $0x1D680  }
0x35: {  	s25 =	simm.s32 $0x1DE80;
	s26 =	simm.s32 $0x1;
	[dreg:$0xc] =	wrdreg s6  }
0x36: {  	[smem:$0x7EB] =	sst s5;
	s6 =	simm.s32 $0xE680;
	s1 =	sshrl.u32 s1, $0x3  }
0x37: {  	v2 =	vlaneseq.u32;
	s5 =	sadd.s32 $0x100, s2;
	s22 =	smax.u32 s16, $0x1;
	[smem:$0x7EC] =	sst s6  }
0x38: {  	vm0 =	vmmov $0xffff;
	v1 =	vshrl.u32 v2, $0x3;
	s16 =	simm.s32 $0x19680;
	s0 =	sadd.s32 s0, s1;
	[smem:$0x7F8] =	sst s22  }
0x39: {  	v0 =	vand.u32 $0x7, v2;
	v2 =	vor.u32 $0x8, v2;
	v1 =	vmul.u32 $0x8, v1;
	s6 =	sadd.s32 $0x200, s2;
	s22 =	simm.s32 $0x1C680;
	[smem:$0x7F4] =	sst s0  }
.LBB2_1:
0x3a: {  	s0 =	sld [smem:$0x7F4];
	_ =	sdelay $0x2  }
0x3b: {  	[tilespmem:s3], [sflag:$0x5] =	stream.linear.gather [hbm4b:s0+s3], $0x640, $0x38;
	[tilespmem:$0x1E680] =	vst v63  }
0x3c: {  	_ =	swait.ge [sflag:s8], $0x640  }
0x3d: {  	[sflag:s8] =	ssyncset.done $0x0  }
0x3e: {  	s1 =	simm.s32 $0x50;
	s0 =	simm.s32 $0x0;
	[sflag:s8] =	ssyncadd.s32 $0xFFFFF9C0  }
.LBB2_2:
0x3f: {  	v3 =	vld [tilespmem:s1+$0xFFFFFFB0];
	_ =	sdelay $0x4  }
0x40: {  	v4 =	vshrl.u32 v3, $0x3  }
0x41: {  	v4 =	vmul.u32 $0x30, v4  }
0x42: {  	v3 =	vand.u32 $0x7, v3  }
0x43: {  	v3 =	vor.u32 v3, v4  }
0x44: {  	v4 =	vperm.xlane v3, v0;
	_ =	sdelay $0x1  }
0x45: {  	v4 =	vadd.s32 v1, v4;
	_ =	sdelay $0x3  }
0x46: {  	v3 =	vperm.xlane v3, v2  }
0x47: {  	[tilespmem:s9], [sflag:$0x1] =	stream.indirect_vreg.gather [hbm4b:s2+s3], $0x80, v4, vm0, $0xb8;
	[tilespmem:$0x1E680] =	vst v63  }
0x48: {  	s4 =	rddreg [dreg:$0x6];
	v3 =	vadd.s32 v1, v3  }
0x49: {  	[tilespmem:s4], [sflag:$0x1] =	stream.indirect_vreg.gather [hbm4b:s5+s3], $0x80, v4, vm0, $0xb8;
	[tilespmem:$0x1E680] =	vst v63  }
0x4a: {  	s7 =	rddreg [dreg:$0x7]  }
0x4b: {  	[tilespmem:s7], [sflag:$0x1] =	stream.indirect_vreg.gather [hbm4b:s6+s3], $0x80, v4, vm0, $0xb8;
	[tilespmem:$0x1E680] =	vst v63  }
0x4c: {  	s4 =	rddreg [dreg:$0x8]  }
0x4d: {  	[tilespmem:s4], [sflag:$0x1] =	stream.indirect_vreg.gather [hbm4b:s2+s3], $0x80, v3, vm0, $0xb8;
	[tilespmem:$0x1E680] =	vst v63  }
0x4e: {  	s7 =	rddreg [dreg:$0x9]  }
0x4f: {  	[tilespmem:s7], [sflag:$0x1] =	stream.indirect_vreg.gather [hbm4b:s5+s3], $0x80, v3, vm0, $0xb8;
	[tilespmem:$0x1E680] =	vst v63  }
0x50: {  	s4 =	rddreg [dreg:$0xa]  }
0x51: {  	[tilespmem:s4], [sflag:$0x1] =	stream.indirect_vreg.gather [hbm4b:s6+s3], $0x80, v3, vm0, $0xb8;
	[tilespmem:$0x1E680] =	vst v63  }
0x52: {  	v3 =	vld [tilespmem:s1+$0xFFFFFFC0];
	_ =	sdelay $0x4  }
0x53: {  	v55 =	vshrl.u32 v3, $0x3  }
0x54: {  	v4 =	vmul.u32 $0x30, v55  }
0x55: {  	v3 =	vand.u32 $0x7, v3  }
0x56: {  	v3 =	vor.u32 v3, v4  }
0x57: {  	v4 =	vperm.xlane v3, v0;
	_ =	sdelay $0x1  }
0x58: {  	v4 =	vadd.s32 v1, v4;
	_ =	sdelay $0x3  }
0x59: {  	s4 =	rddreg [dreg:$0xb];
	v3 =	vperm.xlane v3, v2  }
0x5a: {  	[tilespmem:s4], [sflag:$0x1] =	stream.indirect_vreg.gather [hbm4b:s2+s3], $0x80, v4, vm0, $0xb8;
	[tilespmem:$0x1E680] =	vst v63  }
0x5b: {  	s7 =	rddreg [dreg:$0xc];
	v3 =	vadd.s32 v1, v3  }
0x5c: {  	[tilespmem:s7], [sflag:$0x1] =	stream.indirect_vreg.gather [hbm4b:s5+s3], $0x80, v4, vm0, $0xb8;
	[tilespmem:$0x1E680] =	vst v63  }
0x5d: {  	s4 =	rddreg [dreg:$0xd]  }
0x5e: {  	[tilespmem:s4], [sflag:$0x1] =	stream.indirect_vreg.gather [hbm4b:s6+s3], $0x80, v4, vm0, $0xb8;
	[tilespmem:$0x1E680] =	vst v63  }
0x5f: {  	s7 =	rddreg [dreg:$0xe]  }
0x60: {  	[tilespmem:s7], [sflag:$0x1] =	stream.indirect_vreg.gather [hbm4b:s2+s3], $0x80, v3, vm0, $0xb8;
	[tilespmem:$0x1E680] =	vst v63  }
0x61: {  	s4 =	rddreg [dreg:$0xf]  }
0x62: {  	[tilespmem:s4], [sflag:$0x1] =	stream.indirect_vreg.gather [hbm4b:s5+s3], $0x80, v3, vm0, $0xb8;
	[tilespmem:$0x1E680] =	vst v63  }
0x63: {  	s7 =	rddreg [dreg:$0x10]  }
0x64: {  	[tilespmem:s7], [sflag:$0x1] =	stream.indirect_vreg.gather [hbm4b:s6+s3], $0x80, v3, vm0, $0xb8;
	[tilespmem:$0x1E680] =	vst v63  }
0x65: {  	v3 =	vld [tilespmem:s1+$0xFFFFFFD0];
	_ =	sdelay $0x4  }
0x66: {  	v56 =	vshrl.u32 v3, $0x3  }
0x67: {  	v4 =	vmul.u32 $0x30, v56  }
0x68: {  	v3 =	vand.u32 $0x7, v3  }
0x69: {  	v3 =	vor.u32 v3, v4  }
0x6a: {  	v4 =	vperm.xlane v3, v0;
	_ =	sdelay $0x1  }
0x6b: {  	v4 =	vadd.s32 v1, v4;
	_ =	sdelay $0x3  }
0x6c: {  	s4 =	rddreg [dreg:$0x11];
	v3 =	vperm.xlane v3, v2  }
0x6d: {  	[tilespmem:s4], [sflag:$0x1] =	stream.indirect_vreg.gather [hbm4b:s2+s3], $0x80, v4, vm0, $0xb8;
	[tilespmem:$0x1E680] =	vst v63  }
0x6e: {  	s7 =	rddreg [dreg:$0x12];
	v3 =	vadd.s32 v1, v3  }
0x6f: {  	[tilespmem:s7], [sflag:$0x1] =	stream.indirect_vreg.gather [hbm4b:s5+s3], $0x80, v4, vm0, $0xb8;
	[tilespmem:$0x1E680] =	vst v63  }
0x70: {  	s4 =	rddreg [dreg:$0x13]  }
0x71: {  	[tilespmem:s4], [sflag:$0x1] =	stream.indirect_vreg.gather [hbm4b:s6+s3], $0x80, v4, vm0, $0xb8;
	[tilespmem:$0x1E680] =	vst v63  }
0x72: {  	s7 =	rddreg [dreg:$0x14]  }
0x73: {  	[tilespmem:s7], [sflag:$0x1] =	stream.indirect_vreg.gather [hbm4b:s2+s3], $0x80, v3, vm0, $0xb8;
	[tilespmem:$0x1E680] =	vst v63  }
0x74: {  	s4 =	rddreg [dreg:$0x15]  }
0x75: {  	[tilespmem:s4], [sflag:$0x1] =	stream.indirect_vreg.gather [hbm4b:s5+s3], $0x80, v3, vm0, $0xb8;
	[tilespmem:$0x1E680] =	vst v63  }
0x76: {  	s7 =	rddreg [dreg:$0x16]  }
0x77: {  	[tilespmem:s7], [sflag:$0x1] =	stream.indirect_vreg.gather [hbm4b:s6+s3], $0x80, v3, vm0, $0xb8;
	[tilespmem:$0x1E680] =	vst v63  }
0x78: {  	v3 =	vld [tilespmem:s1+$0xFFFFFFE0];
	_ =	sdelay $0x4  }
0x79: {  	v57 =	vshrl.u32 v3, $0x3  }
0x7a: {  	v4 =	vmul.u32 $0x30, v57  }
0x7b: {  	v3 =	vand.u32 $0x7, v3  }
0x7c: {  	v3 =	vor.u32 v3, v4  }
0x7d: {  	v4 =	vperm.xlane v3, v0;
	_ =	sdelay $0x1  }
0x7e: {  	v4 =	vadd.s32 v1, v4;
	_ =	sdelay $0x3  }
0x7f: {  	s4 =	rddreg [dreg:$0x17];
	v3 =	vperm.xlane v3, v2  }
0x80: {  	[tilespmem:s4], [sflag:$0x1] =	stream.indirect_vreg.gather [hbm4b:s2+s3], $0x80, v4, vm0, $0xb8;
	[tilespmem:$0x1E680] =	vst v63  }
0x81: {  	s7 =	rddreg [dreg:$0x18];
	v3 =	vadd.s32 v1, v3  }
0x82: {  	[tilespmem:s7], [sflag:$0x1] =	stream.indirect_vreg.gather [hbm4b:s5+s3], $0x80, v4, vm0, $0xb8;
	[tilespmem:$0x1E680] =	vst v63  }
0x83: {  	s4 =	rddreg [dreg:$0x19]  }
0x84: {  	[tilespmem:s4], [sflag:$0x1] =	stream.indirect_vreg.gather [hbm4b:s6+s3], $0x80, v4, vm0, $0xb8;
	[tilespmem:$0x1E680] =	vst v63  }
0x85: {  	s7 =	rddreg [dreg:$0x1a]  }
0x86: {  	[tilespmem:s7], [sflag:$0x1] =	stream.indirect_vreg.gather [hbm4b:s2+s3], $0x80, v3, vm0, $0xb8;
	[tilespmem:$0x1E680] =	vst v63  }
0x87: {  	s4 =	rddreg [dreg:$0x1b]  }
0x88: {  	[tilespmem:s4], [sflag:$0x1] =	stream.indirect_vreg.gather [hbm4b:s5+s3], $0x80, v3, vm0, $0xb8;
	[tilespmem:$0x1E680] =	vst v63  }
0x89: {  	s7 =	rddreg [dreg:$0x1c]  }
0x8a: {  	[tilespmem:s7], [sflag:$0x1] =	stream.indirect_vreg.gather [hbm4b:s6+s3], $0x80, v3, vm0, $0xb8;
	[tilespmem:$0x1E680] =	vst v63  }
0x8b: {  	v3 =	vld [tilespmem:s1+$0xFFFFFFF0];
	_ =	sdelay $0x4  }
0x8c: {  	v58 =	vshrl.u32 v3, $0x3  }
0x8d: {  	v4 =	vmul.u32 $0x30, v58  }
0x8e: {  	v3 =	vand.u32 $0x7, v3  }
0x8f: {  	v3 =	vor.u32 v3, v4  }
0x90: {  	v4 =	vperm.xlane v3, v0;
	_ =	sdelay $0x1  }
0x91: {  	v4 =	vadd.s32 v1, v4;
	_ =	sdelay $0x2  }
0x92: {  	s4 =	rddreg [dreg:$0x1d]  }
0x93: {  	s7 =	rddreg [dreg:$0x1e];
	v3 =	vperm.xlane v3, v2  }
0x94: {  	[tilespmem:s4], [sflag:$0x1] =	stream.indirect_vreg.gather [hbm4b:s2+s3], $0x80, v4, vm0, $0xb8;
	[tilespmem:$0x1E680] =	vst v63  }
0x95: {  	v3 =	vadd.s32 v1, v3;
	s4 =	rddreg [dreg:$0x1f]  }
0x96: {  	[tilespmem:s7], [sflag:$0x1] =	stream.indirect_vreg.gather [hbm4b:s5+s3], $0x80, v4, vm0, $0xb8;
	[tilespmem:$0x1E680] =	vst v63  }
0x97: {  	s7 =	sld [smem:$0x7EB]  }
0x98: {  	[tilespmem:s4], [sflag:$0x1] =	stream.indirect_vreg.gather [hbm4b:s6+s3], $0x80, v4, vm0, $0xb8;
	[tilespmem:$0x1E680] =	vst v63  }
0x99: {  	s4 =	sld [smem:$0x7EC]  }
0x9a: {  	[tilespmem:s7], [sflag:$0x1] =	stream.indirect_vreg.gather [hbm4b:s2+s3], $0x80, v3, vm0, $0xb8;
	[tilespmem:$0x1E680] =	vst v63  }
0x9b: {  	s7 =	sld [smem:$0x7ED]  }
0x9c: {  	[tilespmem:s4], [sflag:$0x1] =	stream.indirect_vreg.gather [hbm4b:s5+s3], $0x80, v3, vm0, $0xb8;
	[tilespmem:$0x1E680] =	vst v63  }
0x9d: {  	_ = 	snop  }
0x9e: {  	[tilespmem:s7], [sflag:$0x1] =	stream.indirect_vreg.gather [hbm4b:s6+s3], $0x80, v3, vm0, $0xb8;
	[tilespmem:$0x1E680] =	vst v63  }
0x9f: {  	v3 =	vld [tilespmem:s1+$0x0];
	_ =	sdelay $0x4  }
0xa0: {  	v59 =	vshrl.u32 v3, $0x3  }
0xa1: {  	v4 =	vmul.u32 $0x30, v59  }
0xa2: {  	v3 =	vand.u32 $0x7, v3  }
0xa3: {  	v3 =	vor.u32 v3, v4  }
0xa4: {  	v4 =	vperm.xlane v3, v0;
	_ =	sdelay $0x1  }
0xa5: {  	v4 =	vadd.s32 v1, v4;
	_ =	sdelay $0x3  }
0xa6: {  	s4 =	sld [smem:$0x7EE];
	v3 =	vperm.xlane v3, v2  }
0xa7: {  	[tilespmem:s10], [sflag:$0x2] =	stream.indirect_vreg.gather [hbm4b:s2+s3], $0x80, v4, vm0, $0xb8;
	[tilespmem:$0x1E680] =	vst v63  }
0xa8: {  	s7 =	sld [smem:$0x7EF];
	v3 =	vadd.s32 v1, v3  }
0xa9: {  	[tilespmem:s4], [sflag:$0x2] =	stream.indirect_vreg.gather [hbm4b:s5+s3], $0x80, v4, vm0, $0xb8;
	[tilespmem:$0x1E680] =	vst v63  }
0xaa: {  	s4 =	sld [smem:$0x7F0]  }
0xab: {  	[tilespmem:s7], [sflag:$0x2] =	stream.indirect_vreg.gather [hbm4b:s6+s3], $0x80, v4, vm0, $0xb8;
	[tilespmem:$0x1E680] =	vst v63  }
0xac: {  	s7 =	sld [smem:$0x7F1]  }
0xad: {  	[tilespmem:s4], [sflag:$0x2] =	stream.indirect_vreg.gather [hbm4b:s2+s3], $0x80, v3, vm0, $0xb8;
	[tilespmem:$0x1E680] =	vst v63  }
0xae: {  	s4 =	sld [smem:$0x7F2]  }
0xaf: {  	[tilespmem:s7], [sflag:$0x2] =	stream.indirect_vreg.gather [hbm4b:s5+s3], $0x80, v3, vm0, $0xb8;
	[tilespmem:$0x1E680] =	vst v63  }
0xb0: {  	_ = 	snop  }
0xb1: {  	[tilespmem:s4], [sflag:$0x2] =	stream.indirect_vreg.gather [hbm4b:s6+s3], $0x80, v3, vm0, $0xb8;
	[tilespmem:$0x1E680] =	vst v63  }
0xb2: {  	v3 =	vld [tilespmem:s1+$0x10];
	_ =	sdelay $0x4  }
0xb3: {  	v60 =	vshrl.u32 v3, $0x3  }
0xb4: {  	v4 =	vmul.u32 $0x30, v60  }
0xb5: {  	v3 =	vand.u32 $0x7, v3  }
0xb6: {  	v3 =	vor.u32 v3, v4  }
0xb7: {  	v4 =	vperm.xlane v3, v0;
	_ =	sdelay $0x1  }
0xb8: {  	v4 =	vadd.s32 v1, v4;
	_ =	sdelay $0x1  }
0xb9: {  	s4 =	sld [smem:$0x7F3];
	_ =	sdelay $0x1  }
0xba: {  	s7 =	sld [smem:$0x7F5];
	v3 =	vperm.xlane v3, v2  }
0xbb: {  	[tilespmem:s4], [sflag:$0x2] =	stream.indirect_vreg.gather [hbm4b:s2+s3], $0x80, v4, vm0, $0xb8;
	[tilespmem:$0x1E680] =	vst v63  }
0xbc: {  	v3 =	vadd.s32 v1, v3;
	s4 =	sld [smem:$0x7F6]  }
0xbd: {  	[tilespmem:s7], [sflag:$0x2] =	stream.indirect_vreg.gather [hbm4b:s5+s3], $0x80, v4, vm0, $0xb8;
	[tilespmem:$0x1E680] =	vst v63  }
0xbe: {  	s7 =	sld [smem:$0x7F7]  }
0xbf: {  	[tilespmem:s4], [sflag:$0x2] =	stream.indirect_vreg.gather [hbm4b:s6+s3], $0x80, v4, vm0, $0xb8;
	[tilespmem:$0x1E680] =	vst v63  }
0xc0: {  	s4 =	sld [smem:$0x7F9]  }
0xc1: {  	[tilespmem:s7], [sflag:$0x2] =	stream.indirect_vreg.gather [hbm4b:s2+s3], $0x80, v3, vm0, $0xb8;
	[tilespmem:$0x1E680] =	vst v63  }
0xc2: {  	s7 =	sld [smem:$0x7FA]  }
0xc3: {  	[tilespmem:s4], [sflag:$0x2] =	stream.indirect_vreg.gather [hbm4b:s5+s3], $0x80, v3, vm0, $0xb8;
	[tilespmem:$0x1E680] =	vst v63  }
0xc4: {  	_ = 	snop  }
0xc5: {  	[tilespmem:s7], [sflag:$0x2] =	stream.indirect_vreg.gather [hbm4b:s6+s3], $0x80, v3, vm0, $0xb8;
	[tilespmem:$0x1E680] =	vst v63  }
0xc6: {  	v3 =	vld [tilespmem:s1+$0x20];
	_ =	sdelay $0x4  }
0xc7: {  	v61 =	vshrl.u32 v3, $0x3  }
0xc8: {  	v4 =	vmul.u32 $0x30, v61  }
0xc9: {  	v3 =	vand.u32 $0x7, v3  }
0xca: {  	v3 =	vor.u32 v3, v4  }
0xcb: {  	v4 =	vperm.xlane v3, v0;
	_ =	sdelay $0x1  }
0xcc: {  	v4 =	vadd.s32 v1, v4;
	_ =	sdelay $0x1  }
0xcd: {  	s4 =	sld [smem:$0x7FB];
	_ =	sdelay $0x1  }
0xce: {  	s7 =	sld [smem:$0x7FC];
	v3 =	vperm.xlane v3, v2  }
0xcf: {  	[tilespmem:s4], [sflag:$0x2] =	stream.indirect_vreg.gather [hbm4b:s2+s3], $0x80, v4, vm0, $0xb8;
	[tilespmem:$0x1E680] =	vst v63  }
0xd0: {  	v3 =	vadd.s32 v1, v3;
	s4 =	sld [smem:$0x7FD]  }
0xd1: {  	[tilespmem:s7], [sflag:$0x2] =	stream.indirect_vreg.gather [hbm4b:s5+s3], $0x80, v4, vm0, $0xb8;
	[tilespmem:$0x1E680] =	vst v63  }
0xd2: {  	_ = 	snop  }
0xd3: {  	[tilespmem:s4], [sflag:$0x2] =	stream.indirect_vreg.gather [hbm4b:s6+s3], $0x80, v4, vm0, $0xb8;
	[tilespmem:$0x1E680] =	vst v63  }
0xd4: {  	_ = 	snop  }
0xd5: {  	[tilespmem:s11], [sflag:$0x2] =	stream.indirect_vreg.gather [hbm4b:s2+s3], $0x80, v3, vm0, $0xb8;
	[tilespmem:$0x1E680] =	vst v63  }
0xd6: {  	_ = 	snop  }
0xd7: {  	[tilespmem:s12], [sflag:$0x2] =	stream.indirect_vreg.gather [hbm4b:s5+s3], $0x80, v3, vm0, $0xb8;
	[tilespmem:$0x1E680] =	vst v63  }
0xd8: {  	_ = 	snop  }
0xd9: {  	[tilespmem:s13], [sflag:$0x2] =	stream.indirect_vreg.gather [hbm4b:s6+s3], $0x80, v3, vm0, $0xb8;
	[tilespmem:$0x1E680] =	vst v63  }
0xda: {  	v3 =	vld [tilespmem:s1+$0x30];
	_ =	sdelay $0x4  }
0xdb: {  	v62 =	vshrl.u32 v3, $0x3  }
0xdc: {  	v4 =	vmul.u32 $0x30, v62  }
0xdd: {  	v3 =	vand.u32 $0x7, v3  }
0xde: {  	v3 =	vor.u32 v3, v4  }
0xdf: {  	v4 =	vperm.xlane v3, v0;
	_ =	sdelay $0x1  }
0xe0: {  	v4 =	vadd.s32 v1, v4;
	_ =	sdelay $0x3  }
0xe1: {  	v3 =	vperm.xlane v3, v2  }
0xe2: {  	[tilespmem:s14], [sflag:$0x2] =	stream.indirect_vreg.gather [hbm4b:s2+s3], $0x80, v4, vm0, $0xb8;
	[tilespmem:$0x1E680] =	vst v63  }
0xe3: {  	v3 =	vadd.s32 v1, v3  }
0xe4: {  	[tilespmem:s15], [sflag:$0x2] =	stream.indirect_vreg.gather [hbm4b:s5+s3], $0x80, v4, vm0, $0xb8;
	[tilespmem:$0x1E680] =	vst v63  }
0xe5: {  	_ = 	snop  }
0xe6: {  	[tilespmem:s16], [sflag:$0x2] =	stream.indirect_vreg.gather [hbm4b:s6+s3], $0x80, v4, vm0, $0xb8;
	[tilespmem:$0x1E680] =	vst v63  }
0xe7: {  	_ = 	snop  }
0xe8: {  	[tilespmem:s17], [sflag:$0x2] =	stream.indirect_vreg.gather [hbm4b:s2+s3], $0x80, v3, vm0, $0xb8;
	[tilespmem:$0x1E680] =	vst v63  }
0xe9: {  	_ = 	snop  }
0xea: {  	[tilespmem:s18], [sflag:$0x2] =	stream.indirect_vreg.gather [hbm4b:s5+s3], $0x80, v3, vm0, $0xb8;
	[tilespmem:$0x1E680] =	vst v63  }
0xeb: {  	_ = 	snop  }
0xec: {  	[tilespmem:s19], [sflag:$0x2] =	stream.indirect_vreg.gather [hbm4b:s6+s3], $0x80, v3, vm0, $0xb8;
	[tilespmem:$0x1E680] =	vst v63  }
0xed: {  	v3 =	vld [tilespmem:s1+$0x40];
	_ =	sdelay $0x4  }
0xee: {  	v63 =	vshrl.u32 v3, $0x3  }
0xef: {  	v4 =	vmul.u32 $0x30, v63  }
0xf0: {  	v3 =	vand.u32 $0x7, v3  }
0xf1: {  	v3 =	vor.u32 v3, v4  }
0xf2: {  	v4 =	vperm.xlane v3, v0;
	_ =	sdelay $0x1  }
0xf3: {  	v4 =	vadd.s32 v1, v4;
	_ =	sdelay $0x3  }
0xf4: {  	v3 =	vperm.xlane v3, v2  }
0xf5: {  	[tilespmem:s20], [sflag:$0x2] =	stream.indirect_vreg.gather [hbm4b:s2+s3], $0x80, v4, vm0, $0xb8;
	[tilespmem:$0x1E680] =	vst v63  }
0xf6: {  	v3 =	vadd.s32 v1, v3  }
0xf7: {  	[tilespmem:s21], [sflag:$0x2] =	stream.indirect_vreg.gather [hbm4b:s5+s3], $0x80, v4, vm0, $0xb8;
	[tilespmem:$0x1E680] =	vst v63  }
0xf8: {  	_ = 	snop  }
0xf9: {  	[tilespmem:s22], [sflag:$0x2] =	stream.indirect_vreg.gather [hbm4b:s6+s3], $0x80, v4, vm0, $0xb8;
	[tilespmem:$0x1E680] =	vst v63  }
0xfa: {  	_ = 	snop  }
0xfb: {  	[tilespmem:s23], [sflag:$0x2] =	stream.indirect_vreg.gather [hbm4b:s2+s3], $0x80, v3, vm0, $0xb8;
	[tilespmem:$0x1E680] =	vst v63  }
0xfc: {  	_ = 	snop  }
0xfd: {  	[tilespmem:s24], [sflag:$0x2] =	stream.indirect_vreg.gather [hbm4b:s5+s3], $0x80, v3, vm0, $0xb8;
	[tilespmem:$0x1E680] =	vst v63  }
0xfe: {  	_ = 	snop  }
0xff: {  	[tilespmem:s25], [sflag:$0x2] =	stream.indirect_vreg.gather [hbm4b:s6+s3], $0x80, v3, vm0, $0xb8;
	[tilespmem:$0x1E680] =	vst v63  }
0x100: {  	_ =	swait.ge [sflag:s26], $0xF000  }
0x101: {  	s7 =	rddreg [dreg:$0x5];
	[sflag:s26] =	ssyncset.done $0x0  }
0x102: {  	[sflag:s26] =	ssyncadd.s32 $0xFFFF1000;
	s4 =	sadd.s32 s0, s7  }
0x103: {  	[hbm4b:s4+s3] =	stream.linear.scatter [tilespmem:s9], [sflag:$0x3], $0xF000, $0x38;
	[tilespmem:$0x1E680] =	vst v63  }
0x104: {  	_ =	swait.ge [sflag:s28], $0xF000  }
0x105: {  	s7 =	rddreg [dreg:$0x4];
	[sflag:s28] =	ssyncset.done $0x0  }
0x106: {  	[sflag:s28] =	ssyncadd.s32 $0xFFFF1000;
	s4 =	sadd.s32 s0, s7  }
0x107: {  	[hbm4b:s4+s3] =	stream.linear.scatter [tilespmem:s10], [sflag:$0x4], $0xF000, $0x38;
	[tilespmem:$0x1E680] =	vst v63  }
0x108: {  	p0 =	sne.s32 s0, $0x21C00;
	_ =	swait.ge [sflag:s29], $0xF000  }
.Ltmp0:
0x109: {  	[sflag:s29] =	ssyncset.done $0x0;
	(pc) =	sbr.rel @p0 .LBB2_2-.Ltmp0, $4  }
0x10a: {  	[sflag:s29] =	ssyncadd.s32 $0xFFFF1000  }
0x10b: {  	_ =	swait.ge [sflag:s30], $0xF000  }
0x10c: {  	[sflag:s30] =	ssyncset.done $0x0  }
0x10d: {  	s1 =	sadd.s32 $0xA0, s1;
	s0 =	sadd.s32 $0x3C00, s0;
	[sflag:s30] =	ssyncadd.s32 $0xFFFF1000  }
0x10e: {  	s0 =	sld [smem:$0x7F8];
	_ =	sdelay $0x1  }
0x10f: {  	s31 =	sadd.s32 $0x1, s31  }
0x110: {  	p0 =	sne.s32 s31, s0  }
.Ltmp1:
0x111: {  	_ = 	snop;
	(pc) =	sbr.rel @p0 .LBB2_1-.Ltmp1, $1  }
0x112: {  	_ =	sdelay $0x3  }
0x113: {  	_ =	sfence.sel $0x180000  }
0x114: {  	[bflag:$0x0] =	sbarrier.arrive $0xFFFF  }
0x115: {  	_ =	strace $0x90000047  }
0x116: {  	s0 =	stileid.u32;
	[bflag:$0x2] =	sbarrier.arrive $0xFFFF  }
0x117: {  	p0 =	sne.s32 s0, $0x0;
	s0 =	rddreg [dreg:$0x3]  }
0x118: {  	s0 =	sadd.s32 @!p0 $0x100000, s0  }
0x119: {  	[sflag:s0] =	ssyncadd.tile.s32 @!p0 $0x1;
	_ =	shalt  }
.Lfunc_end2:
_tile_overlayer_lowered:
.L_overlay_start_2:
0x11a: {  	(tag) =	ssettag $0x2  }
0x11b: {  	s0 =	rddreg [dreg:$0x0];
	s2 =	stileid.u32  }
0x11c: {  	s1 =	rddreg [dreg:$0x1];
	p0 =	sne.s32 s2, $0x0  }
0x11d: {  	s3 =	rddreg [dreg:$0x2];
	[bflag:$0x3] =	sbarrier.arrive $0xFFFF;
	s2 =	simm.s32 @!p0 $0x1C05  }
0x11e: {  	[timem:s3], [sflag:s2] =	dma.local @!p0 [hbm:s0], s1  }
0x11f: {  	s0 =	simm.s32 @!p0 $0x5  }
0x120: {  	_ =	swait.ge @!p0 [sflag:s0], s1  }
0x121: {  	s1 =	ssub.s32 @!p0 $0x0, s1;
	[sflag:s0] =	ssyncset.done @!p0 $0x0  }
0x122: {  	[sflag:s0] =	ssyncadd.s32 @!p0 s1  }
0x123: {  	[bflag:$0x3] =	sbarrier.arrive $0xFFFF  }
0x124: {  	_ =	shalt  }

</sc_bundles>
